<compile_context>
chip_gen: v7x
topology: tpu7x:2x2x1
jax: 0.10.2.dev20260603
libtpu: 0.0.44.dev20260713+nightly
codegen_flags: <defaults>
</compile_context>

<pallas_src>
import functools

import jax
import jax.numpy as jnp
from jax import lax
from jax.experimental import pallas as pl
from jax.experimental.pallas import tpu as pltpu
from jax.experimental.pallas import tpu_sc as plsc

_EPS = 1e-12


_NW = 32
_ROWS_PER_GATHER = 128


def _sc_gather(W_word, ids_grouped):
    nw, nsub, rg = ids_grouped.shape
    D = W_word.shape[1]
    n = nw * nsub * rg
    per_w = nsub * rg
    mesh = plsc.VectorSubcoreMesh(core_axis_name="c", subcore_axis_name="s")

    @functools.partial(
        pl.kernel,
        mesh=mesh,
        out_type=jax.ShapeDtypeStruct((n, D), jnp.float32),
        scratch_types=[
            pltpu.VMEM((nsub, rg), jnp.int32),
            pltpu.VMEM((rg, D), jnp.float32),
            pltpu.VMEM((rg, D), jnp.float32),
            pltpu.SemaphoreType.DMA,
            pltpu.SemaphoreType.DMA,
        ],
    )
    def k(table_hbm, idx_hbm, out_hbm, idx_v, buf0, buf1, sem0, sem1):
        wid = lax.axis_index("s") * 2 + lax.axis_index("c")
        base = wid * per_w
        pltpu.sync_copy(idx_hbm.at[wid], idx_v)
        bufs = (buf0, buf1)
        sems = (sem0, sem1)
        descs = [None] * nsub
        descs[0] = pltpu.async_copy(table_hbm.at[idx_v.at[0]], buf0, sem0)
        for j in range(nsub):
            if j + 1 < nsub:
                descs[j + 1] = pltpu.async_copy(
                    table_hbm.at[idx_v.at[j + 1]], bufs[(j + 1) % 2],
                    sems[(j + 1) % 2])
            descs[j].wait()
            pltpu.sync_copy(bufs[j % 2], out_hbm.at[pl.ds(base + j * rg, rg)])

    return k(W_word, ids_grouped)




def _ln_body(g_ref, pos_ref, tt_ref, wtok_ref, gamma_ref, beta_ref, out_ref):
    x = g_ref[...]
    pos = pos_ref[...]
    tt = tt_ref[...]
    t0 = wtok_ref[0:1, :]
    t1 = wtok_ref[1:2, :]
    tok = jnp.where(tt != 0, t1, t0)
    e = x + pos + tok
    mean = jnp.mean(e, axis=1, keepdims=True)
    c = e - mean
    var = jnp.mean(c * c, axis=1, keepdims=True)
    inv = lax.rsqrt(var + _EPS)
    out_ref[...] = c * inv * gamma_ref[...] + beta_ref[...]


def _ln_fuse(gathered, W_pos, tt_flat, W_tok, gamma, beta, blk):
    n, D = gathered.shape
    S = W_pos.shape[0]
    pos_blocks = S // blk
    grid = (n // blk,)
    return pl.pallas_call(
        _ln_body,
        grid=grid,
        in_specs=[
            pl.BlockSpec((blk, D), lambda i: (i, 0)),
            pl.BlockSpec((blk, D), lambda i: (i % pos_blocks, 0)),
            pl.BlockSpec((blk, 1), lambda i: (i, 0)),
            pl.BlockSpec((2, D), lambda i: (0, 0)),
            pl.BlockSpec((1, D), lambda i: (0, 0)),
            pl.BlockSpec((1, D), lambda i: (0, 0)),
        ],
        out_specs=pl.BlockSpec((blk, D), lambda i: (i, 0)),
        out_shape=jax.ShapeDtypeStruct((n, D), jnp.float32),
    )(gathered, W_pos, tt_flat, W_tok, gamma, beta)


def kernel(input_ids, token_type_ids, W_word, W_pos, W_tok, gamma, beta):
    B, S = input_ids.shape
    D = W_word.shape[1]
    n = B * S
    ids_grouped = input_ids.astype(jnp.int32).reshape(
        _NW, n // (_NW * _ROWS_PER_GATHER), _ROWS_PER_GATHER)
    gathered = _sc_gather(W_word, ids_grouped)
    tt_flat = token_type_ids.astype(jnp.int32).reshape(n, 1)
    out = _ln_fuse(gathered, W_pos, tt_flat, W_tok,
                   gamma.reshape(1, D), beta.reshape(1, D), blk=2048)
    return out.reshape(B, S, D)

# --- scband reference (transcript-rebuilt; emitter-appended) ---
"""Pipeline reference for scband-embeddings-lookup-48060684043024 (READ-ONLY COPY).

The authoritative reference and input builder live on the scoring server;
editing this copy changes nothing except your own understanding.
"""

import jax, jax.numpy as jnp
import numpy as np

VOCAB = 100000
HID = 128
MAXPOS = 8192
TYPES = 2
B = 4
S = 8192
EPS = 1e-12


def setup_inputs(seed: int = 0) -> dict:
    key = jax.random.key(seed)
    k1, k2, k3, k4 = jax.random.split(key, 4)
    input_ids = jax.random.randint(k1, (B, S), 0, VOCAB)
    token_type_ids = jnp.zeros((B, S), dtype=jnp.int32)
    W_word = jax.random.normal(k2, (VOCAB, HID), dtype=jnp.float32) * 0.02
    W_word = W_word.at[0].set(0.0)  # padding_idx=0 row zeroed
    W_pos = jax.random.normal(k3, (MAXPOS, HID), dtype=jnp.float32) * 0.02
    W_tok = jax.random.normal(k4, (TYPES, HID), dtype=jnp.float32) * 0.02
    gamma = jnp.ones((HID,), dtype=jnp.float32)
    beta = jnp.zeros((HID,), dtype=jnp.float32)
    return {
        "input_ids": input_ids,
        "token_type_ids": token_type_ids,
        "W_word": W_word,
        "W_pos": W_pos,
        "W_tok": W_tok,
        "gamma": gamma,
        "beta": beta,
    }


def reference(input_ids, token_type_ids, W_word, W_pos, W_tok, gamma, beta):
    seq_len = input_ids.shape[1]
    inputs_embeds = jnp.take(W_word, input_ids, axis=0)
    token_type_embeddings = jnp.take(W_tok, token_type_ids, axis=0)
    position_ids = jnp.arange(seq_len)
    position_embeddings = jnp.take(W_pos, position_ids, axis=0)[None, :, :]
    embeddings = inputs_embeds + token_type_embeddings + position_embeddings
    mean = jnp.mean(embeddings, axis=-1, keepdims=True)
    var = jnp.mean((embeddings - mean) ** 2, axis=-1, keepdims=True)
    normed = (embeddings - mean) / jnp.sqrt(var + EPS)
    out = normed * gamma + beta
    # dropout is identity in eval mode (p applied only in training)
    return out

if __name__ == "__main__":
    import jax
    _d = setup_inputs()
    print(jax.jit(kernel)(*tuple(_d.values())))

</pallas_src>

<mosaic_0001>
#map = affine_map<(d0, d1) -> (0, 0)>
#map1 = affine_map<(d0, d1) -> (0, 0, 0)>
module attributes {stable_mosaic.version = 14 : i64} {
  func.func @k(%arg0: i32, %arg1: i32, %arg2: memref<100000x128xf32, #tpu.memory_space<hbm>>, %arg3: memref<32x8x128xi32, #tpu.memory_space<hbm>>, %arg4: memref<32768x128xf32, #tpu.memory_space<hbm>>, %arg5: memref<8x128xi32, #tpu.memory_space<vmem>>, %arg6: memref<128x128xf32, #tpu.memory_space<vmem>>, %arg7: memref<128x128xf32, #tpu.memory_space<vmem>>, %arg8: memref<!tpu.dma_semaphore, #tpu.memory_space<semaphore_mem>>, %arg9: memref<!tpu.dma_semaphore, #tpu.memory_space<semaphore_mem>>) attributes {dimension_semantics = [#tpu.dimension_semantics<core_parallel>, #tpu.dimension_semantics<subcore_parallel>], iteration_bounds = array<i64: 2, 16>, scalar_prefetch = 0 : i64, scratch_operands = 5 : i64, tpu.core_type = #tpu.core_type<sc_vector_subcore>, window_params = [{transform_indices = #map}, {transform_indices = #map1}, {transform_indices = #map}]} {
    %mul3A = arith.constant 2 : i32
    %mul3A_0 = arith.muli %arg1, %mul3A : i32
    %add3A = arith.addi %mul3A_0, %arg0 : i32
    %mul3A_1 = arith.constant 1024 : i32
    %mul3A_2 = arith.muli %add3A, %mul3A_1 : i32
    "tpu.region"() ({
      %run_scoped3A = tpu.sem_alloc : memref<!tpu.dma_semaphore, #tpu.memory_space<semaphore_mem>>
      %dma_start3A_129 = arith.constant 0 : i32
      %dma_start3A_130 = arith.constant 0 : i32
      %dma_start3A_131 = tpu.memref_slice %arg3[%add3A, %dma_start3A_129, %dma_start3A_130] : memref<32x8x128xi32, #tpu.memory_space<hbm>> -> memref<1x8x128xi32, #tpu.memory_space<hbm>>
      %dma_start3A_132 = tpu.memref_squeeze %dma_start3A_131 : memref<1x8x128xi32, #tpu.memory_space<hbm>> -> memref<8x128xi32, #tpu.memory_space<hbm>>
      %dma_start3A_133 = arith.constant 0 : i32
      %dma_start3A_134 = arith.constant 0 : i32
      %dma_start3A_135 = tpu.memref_slice %arg3[%add3A, %dma_start3A_133, %dma_start3A_134] : memref<32x8x128xi32, #tpu.memory_space<hbm>> -> memref<1x8x128xi32, #tpu.memory_space<hbm>>
      %dma_start3A_136 = tpu.memref_squeeze %dma_start3A_135 : memref<1x8x128xi32, #tpu.memory_space<hbm>> -> memref<8x128xi32, #tpu.memory_space<hbm>>
      tpu.enqueue_dma source(%dma_start3A_136 : memref<8x128xi32, #tpu.memory_space<hbm>>) target(%arg5 : memref<8x128xi32, #tpu.memory_space<vmem>>) target_semaphore(%run_scoped3A : memref<!tpu.dma_semaphore, #tpu.memory_space<semaphore_mem>>)
      %dma_wait3A_137 = arith.constant 0 : i32
      %dma_wait3A_138 = arith.constant 0 : i32
      %dma_wait3A_139 = tpu.memref_slice %arg3[%add3A, %dma_wait3A_137, %dma_wait3A_138] : memref<32x8x128xi32, #tpu.memory_space<hbm>> -> memref<1x8x128xi32, #tpu.memory_space<hbm>>
      %dma_wait3A_140 = tpu.memref_squeeze %dma_wait3A_139 : memref<1x8x128xi32, #tpu.memory_space<hbm>> -> memref<8x128xi32, #tpu.memory_space<hbm>>
      %dma_wait3A_141 = arith.constant 0 : i32
      %dma_wait3A_142 = arith.constant 0 : i32
      %dma_wait3A_143 = tpu.memref_slice %arg3[%add3A, %dma_wait3A_141, %dma_wait3A_142] : memref<32x8x128xi32, #tpu.memory_space<hbm>> -> memref<1x8x128xi32, #tpu.memory_space<hbm>>
      %dma_wait3A_144 = tpu.memref_squeeze %dma_wait3A_143 : memref<1x8x128xi32, #tpu.memory_space<hbm>> -> memref<8x128xi32, #tpu.memory_space<hbm>>
      tpu.wait_dma2 semaphore(%run_scoped3A : memref<!tpu.dma_semaphore, #tpu.memory_space<semaphore_mem>>) src(%dma_wait3A_144 : memref<8x128xi32, #tpu.memory_space<hbm>>) dst(%arg5 : memref<8x128xi32, #tpu.memory_space<vmem>>)
      tpu.yield
    }) : () -> ()
    %dma_start3A = arith.constant 0 : i32
    %dma_start3A_3 = arith.constant 0 : i32
    %dma_start3A_4 = tpu.memref_slice %arg5[%dma_start3A, %dma_start3A_3] : memref<8x128xi32, #tpu.memory_space<vmem>> -> memref<1x128xi32, #tpu.memory_space<vmem>>
    %dma_start3A_5 = tpu.memref_squeeze %dma_start3A_4 : memref<1x128xi32, #tpu.memory_space<vmem>> -> memref<128xi32, #tpu.memory_space<vmem>>
    %dma_start3A_6 = arith.constant 0 : i32
    %dma_start3A_7 = arith.constant 0 : i32
    %dma_start3A_8 = tpu.memref_slice %arg2[%dma_start3A_6, %dma_start3A_7] : memref<100000x128xf32, #tpu.memory_space<hbm>> -> memref<100000x128xf32, #tpu.memory_space<hbm>>
    tpu.enqueue_indirect_dma source(%dma_start3A_8 : memref<100000x128xf32, #tpu.memory_space<hbm>>) target(%arg6 : memref<128x128xf32, #tpu.memory_space<vmem>>) offsets(%dma_start3A_5 : memref<128xi32, #tpu.memory_space<vmem>>) semaphore(%arg8 : memref<!tpu.dma_semaphore, #tpu.memory_space<semaphore_mem>>)
    %dma_start3A_9 = arith.constant 1 : i32
    %dma_start3A_10 = arith.constant 0 : i32
    %dma_start3A_11 = tpu.memref_slice %arg5[%dma_start3A_9, %dma_start3A_10] : memref<8x128xi32, #tpu.memory_space<vmem>> -> memref<1x128xi32, #tpu.memory_space<vmem>>
    %dma_start3A_12 = tpu.memref_squeeze %dma_start3A_11 : memref<1x128xi32, #tpu.memory_space<vmem>> -> memref<128xi32, #tpu.memory_space<vmem>>
    %dma_start3A_13 = arith.constant 0 : i32
    %dma_start3A_14 = arith.constant 0 : i32
    %dma_start3A_15 = tpu.memref_slice %arg2[%dma_start3A_13, %dma_start3A_14] : memref<100000x128xf32, #tpu.memory_space<hbm>> -> memref<100000x128xf32, #tpu.memory_space<hbm>>
    tpu.enqueue_indirect_dma source(%dma_start3A_15 : memref<100000x128xf32, #tpu.memory_space<hbm>>) target(%arg7 : memref<128x128xf32, #tpu.memory_space<vmem>>) offsets(%dma_start3A_12 : memref<128xi32, #tpu.memory_space<vmem>>) semaphore(%arg9 : memref<!tpu.dma_semaphore, #tpu.memory_space<semaphore_mem>>)
    %dma_wait3A = arith.constant 0 : i32
    %dma_wait3A_16 = arith.constant 0 : i32
    %dma_wait3A_17 = tpu.memref_slice %arg5[%dma_wait3A, %dma_wait3A_16] : memref<8x128xi32, #tpu.memory_space<vmem>> -> memref<1x128xi32, #tpu.memory_space<vmem>>
    %dma_wait3A_18 = tpu.memref_squeeze %dma_wait3A_17 : memref<1x128xi32, #tpu.memory_space<vmem>> -> memref<128xi32, #tpu.memory_space<vmem>>
    %dma_wait3A_19 = arith.constant 0 : i32
    %dma_wait3A_20 = arith.constant 0 : i32
    %dma_wait3A_21 = tpu.memref_slice %arg2[%dma_wait3A_19, %dma_wait3A_20] : memref<100000x128xf32, #tpu.memory_space<hbm>> -> memref<100000x128xf32, #tpu.memory_space<hbm>>
    tpu.wait_indirect_dma semaphore(%arg8 : memref<!tpu.dma_semaphore, #tpu.memory_space<semaphore_mem>>) src(%dma_wait3A_21 : memref<100000x128xf32, #tpu.memory_space<hbm>>) dst(%arg6 : memref<128x128xf32, #tpu.memory_space<vmem>>)
    %add3A_22 = arith.constant 0 : i32
    %add3A_23 = arith.addi %mul3A_2, %add3A_22 : i32
    "tpu.region"() ({
      %run_scoped3A = tpu.sem_alloc : memref<!tpu.dma_semaphore, #tpu.memory_space<semaphore_mem>>
      %dma_start3A_129 = arith.constant 0 : i32
      %dma_start3A_130 = tpu.memref_slice %arg4[%add3A_23, %dma_start3A_129] : memref<32768x128xf32, #tpu.memory_space<hbm>> -> memref<128x128xf32, #tpu.memory_space<hbm>>
      %dma_start3A_131 = arith.constant 0 : i32
      %dma_start3A_132 = tpu.memref_slice %arg4[%add3A_23, %dma_start3A_131] : memref<32768x128xf32, #tpu.memory_space<hbm>> -> memref<128x128xf32, #tpu.memory_space<hbm>>
      tpu.enqueue_dma source(%arg6 : memref<128x128xf32, #tpu.memory_space<vmem>>) target(%dma_start3A_132 : memref<128x128xf32, #tpu.memory_space<hbm>>) target_semaphore(%run_scoped3A : memref<!tpu.dma_semaphore, #tpu.memory_space<semaphore_mem>>)
      %dma_wait3A_133 = arith.constant 0 : i32
      %dma_wait3A_134 = tpu.memref_slice %arg4[%add3A_23, %dma_wait3A_133] : memref<32768x128xf32, #tpu.memory_space<hbm>> -> memref<128x128xf32, #tpu.memory_space<hbm>>
      %dma_wait3A_135 = arith.constant 0 : i32
      %dma_wait3A_136 = tpu.memref_slice %arg4[%add3A_23, %dma_wait3A_135] : memref<32768x128xf32, #tpu.memory_space<hbm>> -> memref<128x128xf32, #tpu.memory_space<hbm>>
      tpu.wait_dma2 semaphore(%run_scoped3A : memref<!tpu.dma_semaphore, #tpu.memory_space<semaphore_mem>>) src(%arg6 : memref<128x128xf32, #tpu.memory_space<vmem>>) dst(%dma_wait3A_136 : memref<128x128xf32, #tpu.memory_space<hbm>>)
      tpu.yield
    }) : () -> ()
    %dma_start3A_24 = arith.constant 2 : i32
    %dma_start3A_25 = arith.constant 0 : i32
    %dma_start3A_26 = tpu.memref_slice %arg5[%dma_start3A_24, %dma_start3A_25] : memref<8x128xi32, #tpu.memory_space<vmem>> -> memref<1x128xi32, #tpu.memory_space<vmem>>
    %dma_start3A_27 = tpu.memref_squeeze %dma_start3A_26 : memref<1x128xi32, #tpu.memory_space<vmem>> -> memref<128xi32, #tpu.memory_space<vmem>>
    %dma_start3A_28 = arith.constant 0 : i32
    %dma_start3A_29 = arith.constant 0 : i32
    %dma_start3A_30 = tpu.memref_slice %arg2[%dma_start3A_28, %dma_start3A_29] : memref<100000x128xf32, #tpu.memory_space<hbm>> -> memref<100000x128xf32, #tpu.memory_space<hbm>>
    tpu.enqueue_indirect_dma source(%dma_start3A_30 : memref<100000x128xf32, #tpu.memory_space<hbm>>) target(%arg6 : memref<128x128xf32, #tpu.memory_space<vmem>>) offsets(%dma_start3A_27 : memref<128xi32, #tpu.memory_space<vmem>>) semaphore(%arg8 : memref<!tpu.dma_semaphore, #tpu.memory_space<semaphore_mem>>)
    %dma_wait3A_31 = arith.constant 1 : i32
    %dma_wait3A_32 = arith.constant 0 : i32
    %dma_wait3A_33 = tpu.memref_slice %arg5[%dma_wait3A_31, %dma_wait3A_32] : memref<8x128xi32, #tpu.memory_space<vmem>> -> memref<1x128xi32, #tpu.memory_space<vmem>>
    %dma_wait3A_34 = tpu.memref_squeeze %dma_wait3A_33 : memref<1x128xi32, #tpu.memory_space<vmem>> -> memref<128xi32, #tpu.memory_space<vmem>>
    %dma_wait3A_35 = arith.constant 0 : i32
    %dma_wait3A_36 = arith.constant 0 : i32
    %dma_wait3A_37 = tpu.memref_slice %arg2[%dma_wait3A_35, %dma_wait3A_36] : memref<100000x128xf32, #tpu.memory_space<hbm>> -> memref<100000x128xf32, #tpu.memory_space<hbm>>
    tpu.wait_indirect_dma semaphore(%arg9 : memref<!tpu.dma_semaphore, #tpu.memory_space<semaphore_mem>>) src(%dma_wait3A_37 : memref<100000x128xf32, #tpu.memory_space<hbm>>) dst(%arg7 : memref<128x128xf32, #tpu.memory_space<vmem>>)
    %add3A_38 = arith.constant 128 : i32
    %add3A_39 = arith.addi %mul3A_2, %add3A_38 : i32
    "tpu.region"() ({
      %run_scoped3A = tpu.sem_alloc : memref<!tpu.dma_semaphore, #tpu.memory_space<semaphore_mem>>
      %dma_start3A_129 = arith.constant 0 : i32
      %dma_start3A_130 = tpu.memref_slice %arg4[%add3A_39, %dma_start3A_129] : memref<32768x128xf32, #tpu.memory_space<hbm>> -> memref<128x128xf32, #tpu.memory_space<hbm>>
      %dma_start3A_131 = arith.constant 0 : i32
      %dma_start3A_132 = tpu.memref_slice %arg4[%add3A_39, %dma_start3A_131] : memref<32768x128xf32, #tpu.memory_space<hbm>> -> memref<128x128xf32, #tpu.memory_space<hbm>>
      tpu.enqueue_dma source(%arg7 : memref<128x128xf32, #tpu.memory_space<vmem>>) target(%dma_start3A_132 : memref<128x128xf32, #tpu.memory_space<hbm>>) target_semaphore(%run_scoped3A : memref<!tpu.dma_semaphore, #tpu.memory_space<semaphore_mem>>)
      %dma_wait3A_133 = arith.constant 0 : i32
      %dma_wait3A_134 = tpu.memref_slice %arg4[%add3A_39, %dma_wait3A_133] : memref<32768x128xf32, #tpu.memory_space<hbm>> -> memref<128x128xf32, #tpu.memory_space<hbm>>
      %dma_wait3A_135 = arith.constant 0 : i32
      %dma_wait3A_136 = tpu.memref_slice %arg4[%add3A_39, %dma_wait3A_135] : memref<32768x128xf32, #tpu.memory_space<hbm>> -> memref<128x128xf32, #tpu.memory_space<hbm>>
      tpu.wait_dma2 semaphore(%run_scoped3A : memref<!tpu.dma_semaphore, #tpu.memory_space<semaphore_mem>>) src(%arg7 : memref<128x128xf32, #tpu.memory_space<vmem>>) dst(%dma_wait3A_136 : memref<128x128xf32, #tpu.memory_space<hbm>>)
      tpu.yield
    }) : () -> ()
    %dma_start3A_40 = arith.constant 3 : i32
    %dma_start3A_41 = arith.constant 0 : i32
    %dma_start3A_42 = tpu.memref_slice %arg5[%dma_start3A_40, %dma_start3A_41] : memref<8x128xi32, #tpu.memory_space<vmem>> -> memref<1x128xi32, #tpu.memory_space<vmem>>
    %dma_start3A_43 = tpu.memref_squeeze %dma_start3A_42 : memref<1x128xi32, #tpu.memory_space<vmem>> -> memref<128xi32, #tpu.memory_space<vmem>>
    %dma_start3A_44 = arith.constant 0 : i32
    %dma_start3A_45 = arith.constant 0 : i32
    %dma_start3A_46 = tpu.memref_slice %arg2[%dma_start3A_44, %dma_start3A_45] : memref<100000x128xf32, #tpu.memory_space<hbm>> -> memref<100000x128xf32, #tpu.memory_space<hbm>>
    tpu.enqueue_indirect_dma source(%dma_start3A_46 : memref<100000x128xf32, #tpu.memory_space<hbm>>) target(%arg7 : memref<128x128xf32, #tpu.memory_space<vmem>>) offsets(%dma_start3A_43 : memref<128xi32, #tpu.memory_space<vmem>>) semaphore(%arg9 : memref<!tpu.dma_semaphore, #tpu.memory_space<semaphore_mem>>)
    %dma_wait3A_47 = arith.constant 2 : i32
    %dma_wait3A_48 = arith.constant 0 : i32
    %dma_wait3A_49 = tpu.memref_slice %arg5[%dma_wait3A_47, %dma_wait3A_48] : memref<8x128xi32, #tpu.memory_space<vmem>> -> memref<1x128xi32, #tpu.memory_space<vmem>>
    %dma_wait3A_50 = tpu.memref_squeeze %dma_wait3A_49 : memref<1x128xi32, #tpu.memory_space<vmem>> -> memref<128xi32, #tpu.memory_space<vmem>>
    %dma_wait3A_51 = arith.constant 0 : i32
    %dma_wait3A_52 = arith.constant 0 : i32
    %dma_wait3A_53 = tpu.memref_slice %arg2[%dma_wait3A_51, %dma_wait3A_52] : memref<100000x128xf32, #tpu.memory_space<hbm>> -> memref<100000x128xf32, #tpu.memory_space<hbm>>
    tpu.wait_indirect_dma semaphore(%arg8 : memref<!tpu.dma_semaphore, #tpu.memory_space<semaphore_mem>>) src(%dma_wait3A_53 : memref<100000x128xf32, #tpu.memory_space<hbm>>) dst(%arg6 : memref<128x128xf32, #tpu.memory_space<vmem>>)
    %add3A_54 = arith.constant 256 : i32
    %add3A_55 = arith.addi %mul3A_2, %add3A_54 : i32
    "tpu.region"() ({
      %run_scoped3A = tpu.sem_alloc : memref<!tpu.dma_semaphore, #tpu.memory_space<semaphore_mem>>
      %dma_start3A_129 = arith.constant 0 : i32
      %dma_start3A_130 = tpu.memref_slice %arg4[%add3A_55, %dma_start3A_129] : memref<32768x128xf32, #tpu.memory_space<hbm>> -> memref<128x128xf32, #tpu.memory_space<hbm>>
      %dma_start3A_131 = arith.constant 0 : i32
      %dma_start3A_132 = tpu.memref_slice %arg4[%add3A_55, %dma_start3A_131] : memref<32768x128xf32, #tpu.memory_space<hbm>> -> memref<128x128xf32, #tpu.memory_space<hbm>>
      tpu.enqueue_dma source(%arg6 : memref<128x128xf32, #tpu.memory_space<vmem>>) target(%dma_start3A_132 : memref<128x128xf32, #tpu.memory_space<hbm>>) target_semaphore(%run_scoped3A : memref<!tpu.dma_semaphore, #tpu.memory_space<semaphore_mem>>)
      %dma_wait3A_133 = arith.constant 0 : i32
      %dma_wait3A_134 = tpu.memref_slice %arg4[%add3A_55, %dma_wait3A_133] : memref<32768x128xf32, #tpu.memory_space<hbm>> -> memref<128x128xf32, #tpu.memory_space<hbm>>
      %dma_wait3A_135 = arith.constant 0 : i32
      %dma_wait3A_136 = tpu.memref_slice %arg4[%add3A_55, %dma_wait3A_135] : memref<32768x128xf32, #tpu.memory_space<hbm>> -> memref<128x128xf32, #tpu.memory_space<hbm>>
      tpu.wait_dma2 semaphore(%run_scoped3A : memref<!tpu.dma_semaphore, #tpu.memory_space<semaphore_mem>>) src(%arg6 : memref<128x128xf32, #tpu.memory_space<vmem>>) dst(%dma_wait3A_136 : memref<128x128xf32, #tpu.memory_space<hbm>>)
      tpu.yield
    }) : () -> ()
    %dma_start3A_56 = arith.constant 4 : i32
    %dma_start3A_57 = arith.constant 0 : i32
    %dma_start3A_58 = tpu.memref_slice %arg5[%dma_start3A_56, %dma_start3A_57] : memref<8x128xi32, #tpu.memory_space<vmem>> -> memref<1x128xi32, #tpu.memory_space<vmem>>
    %dma_start3A_59 = tpu.memref_squeeze %dma_start3A_58 : memref<1x128xi32, #tpu.memory_space<vmem>> -> memref<128xi32, #tpu.memory_space<vmem>>
    %dma_start3A_60 = arith.constant 0 : i32
    %dma_start3A_61 = arith.constant 0 : i32
    %dma_start3A_62 = tpu.memref_slice %arg2[%dma_start3A_60, %dma_start3A_61] : memref<100000x128xf32, #tpu.memory_space<hbm>> -> memref<100000x128xf32, #tpu.memory_space<hbm>>
    tpu.enqueue_indirect_dma source(%dma_start3A_62 : memref<100000x128xf32, #tpu.memory_space<hbm>>) target(%arg6 : memref<128x128xf32, #tpu.memory_space<vmem>>) offsets(%dma_start3A_59 : memref<128xi32, #tpu.memory_space<vmem>>) semaphore(%arg8 : memref<!tpu.dma_semaphore, #tpu.memory_space<semaphore_mem>>)
    %dma_wait3A_63 = arith.constant 3 : i32
    %dma_wait3A_64 = arith.constant 0 : i32
    %dma_wait3A_65 = tpu.memref_slice %arg5[%dma_wait3A_63, %dma_wait3A_64] : memref<8x128xi32, #tpu.memory_space<vmem>> -> memref<1x128xi32, #tpu.memory_space<vmem>>
    %dma_wait3A_66 = tpu.memref_squeeze %dma_wait3A_65 : memref<1x128xi32, #tpu.memory_space<vmem>> -> memref<128xi32, #tpu.memory_space<vmem>>
    %dma_wait3A_67 = arith.constant 0 : i32
    %dma_wait3A_68 = arith.constant 0 : i32
    %dma_wait3A_69 = tpu.memref_slice %arg2[%dma_wait3A_67, %dma_wait3A_68] : memref<100000x128xf32, #tpu.memory_space<hbm>> -> memref<100000x128xf32, #tpu.memory_space<hbm>>
    tpu.wait_indirect_dma semaphore(%arg9 : memref<!tpu.dma_semaphore, #tpu.memory_space<semaphore_mem>>) src(%dma_wait3A_69 : memref<100000x128xf32, #tpu.memory_space<hbm>>) dst(%arg7 : memref<128x128xf32, #tpu.memory_space<vmem>>)
    %add3A_70 = arith.constant 384 : i32
    %add3A_71 = arith.addi %mul3A_2, %add3A_70 : i32
    "tpu.region"() ({
      %run_scoped3A = tpu.sem_alloc : memref<!tpu.dma_semaphore, #tpu.memory_space<semaphore_mem>>
      %dma_start3A_129 = arith.constant 0 : i32
      %dma_start3A_130 = tpu.memref_slice %arg4[%add3A_71, %dma_start3A_129] : memref<32768x128xf32, #tpu.memory_space<hbm>> -> memref<128x128xf32, #tpu.memory_space<hbm>>
      %dma_start3A_131 = arith.constant 0 : i32
      %dma_start3A_132 = tpu.memref_slice %arg4[%add3A_71, %dma_start3A_131] : memref<32768x128xf32, #tpu.memory_space<hbm>> -> memref<128x128xf32, #tpu.memory_space<hbm>>
      tpu.enqueue_dma source(%arg7 : memref<128x128xf32, #tpu.memory_space<vmem>>) target(%dma_start3A_132 : memref<128x128xf32, #tpu.memory_space<hbm>>) target_semaphore(%run_scoped3A : memref<!tpu.dma_semaphore, #tpu.memory_space<semaphore_mem>>)
      %dma_wait3A_133 = arith.constant 0 : i32
      %dma_wait3A_134 = tpu.memref_slice %arg4[%add3A_71, %dma_wait3A_133] : memref<32768x128xf32, #tpu.memory_space<hbm>> -> memref<128x128xf32, #tpu.memory_space<hbm>>
      %dma_wait3A_135 = arith.constant 0 : i32
      %dma_wait3A_136 = tpu.memref_slice %arg4[%add3A_71, %dma_wait3A_135] : memref<32768x128xf32, #tpu.memory_space<hbm>> -> memref<128x128xf32, #tpu.memory_space<hbm>>
      tpu.wait_dma2 semaphore(%run_scoped3A : memref<!tpu.dma_semaphore, #tpu.memory_space<semaphore_mem>>) src(%arg7 : memref<128x128xf32, #tpu.memory_space<vmem>>) dst(%dma_wait3A_136 : memref<128x128xf32, #tpu.memory_space<hbm>>)
      tpu.yield
    }) : () -> ()
    %dma_start3A_72 = arith.constant 5 : i32
    %dma_start3A_73 = arith.constant 0 : i32
    %dma_start3A_74 = tpu.memref_slice %arg5[%dma_start3A_72, %dma_start3A_73] : memref<8x128xi32, #tpu.memory_space<vmem>> -> memref<1x128xi32, #tpu.memory_space<vmem>>
    %dma_start3A_75 = tpu.memref_squeeze %dma_start3A_74 : memref<1x128xi32, #tpu.memory_space<vmem>> -> memref<128xi32, #tpu.memory_space<vmem>>
    %dma_start3A_76 = arith.constant 0 : i32
    %dma_start3A_77 = arith.constant 0 : i32
    %dma_start3A_78 = tpu.memref_slice %arg2[%dma_start3A_76, %dma_start3A_77] : memref<100000x128xf32, #tpu.memory_space<hbm>> -> memref<100000x128xf32, #tpu.memory_space<hbm>>
    tpu.enqueue_indirect_dma source(%dma_start3A_78 : memref<100000x128xf32, #tpu.memory_space<hbm>>) target(%arg7 : memref<128x128xf32, #tpu.memory_space<vmem>>) offsets(%dma_start3A_75 : memref<128xi32, #tpu.memory_space<vmem>>) semaphore(%arg9 : memref<!tpu.dma_semaphore, #tpu.memory_space<semaphore_mem>>)
    %dma_wait3A_79 = arith.constant 4 : i32
    %dma_wait3A_80 = arith.constant 0 : i32
    %dma_wait3A_81 = tpu.memref_slice %arg5[%dma_wait3A_79, %dma_wait3A_80] : memref<8x128xi32, #tpu.memory_space<vmem>> -> memref<1x128xi32, #tpu.memory_space<vmem>>
    %dma_wait3A_82 = tpu.memref_squeeze %dma_wait3A_81 : memref<1x128xi32, #tpu.memory_space<vmem>> -> memref<128xi32, #tpu.memory_space<vmem>>
    %dma_wait3A_83 = arith.constant 0 : i32
    %dma_wait3A_84 = arith.constant 0 : i32
    %dma_wait3A_85 = tpu.memref_slice %arg2[%dma_wait3A_83, %dma_wait3A_84] : memref<100000x128xf32, #tpu.memory_space<hbm>> -> memref<100000x128xf32, #tpu.memory_space<hbm>>
    tpu.wait_indirect_dma semaphore(%arg8 : memref<!tpu.dma_semaphore, #tpu.memory_space<semaphore_mem>>) src(%dma_wait3A_85 : memref<100000x128xf32, #tpu.memory_space<hbm>>) dst(%arg6 : memref<128x128xf32, #tpu.memory_space<vmem>>)
    %add3A_86 = arith.constant 512 : i32
    %add3A_87 = arith.addi %mul3A_2, %add3A_86 : i32
    "tpu.region"() ({
      %run_scoped3A = tpu.sem_alloc : memref<!tpu.dma_semaphore, #tpu.memory_space<semaphore_mem>>
      %dma_start3A_129 = arith.constant 0 : i32
      %dma_start3A_130 = tpu.memref_slice %arg4[%add3A_87, %dma_start3A_129] : memref<32768x128xf32, #tpu.memory_space<hbm>> -> memref<128x128xf32, #tpu.memory_space<hbm>>
      %dma_start3A_131 = arith.constant 0 : i32
      %dma_start3A_132 = tpu.memref_slice %arg4[%add3A_87, %dma_start3A_131] : memref<32768x128xf32, #tpu.memory_space<hbm>> -> memref<128x128xf32, #tpu.memory_space<hbm>>
      tpu.enqueue_dma source(%arg6 : memref<128x128xf32, #tpu.memory_space<vmem>>) target(%dma_start3A_132 : memref<128x128xf32, #tpu.memory_space<hbm>>) target_semaphore(%run_scoped3A : memref<!tpu.dma_semaphore, #tpu.memory_space<semaphore_mem>>)
      %dma_wait3A_133 = arith.constant 0 : i32
      %dma_wait3A_134 = tpu.memref_slice %arg4[%add3A_87, %dma_wait3A_133] : memref<32768x128xf32, #tpu.memory_space<hbm>> -> memref<128x128xf32, #tpu.memory_space<hbm>>
      %dma_wait3A_135 = arith.constant 0 : i32
      %dma_wait3A_136 = tpu.memref_slice %arg4[%add3A_87, %dma_wait3A_135] : memref<32768x128xf32, #tpu.memory_space<hbm>> -> memref<128x128xf32, #tpu.memory_space<hbm>>
      tpu.wait_dma2 semaphore(%run_scoped3A : memref<!tpu.dma_semaphore, #tpu.memory_space<semaphore_mem>>) src(%arg6 : memref<128x128xf32, #tpu.memory_space<vmem>>) dst(%dma_wait3A_136 : memref<128x128xf32, #tpu.memory_space<hbm>>)
      tpu.yield
    }) : () -> ()
    %dma_start3A_88 = arith.constant 6 : i32
    %dma_start3A_89 = arith.constant 0 : i32
    %dma_start3A_90 = tpu.memref_slice %arg5[%dma_start3A_88, %dma_start3A_89] : memref<8x128xi32, #tpu.memory_space<vmem>> -> memref<1x128xi32, #tpu.memory_space<vmem>>
    %dma_start3A_91 = tpu.memref_squeeze %dma_start3A_90 : memref<1x128xi32, #tpu.memory_space<vmem>> -> memref<128xi32, #tpu.memory_space<vmem>>
    %dma_start3A_92 = arith.constant 0 : i32
    %dma_start3A_93 = arith.constant 0 : i32
    %dma_start3A_94 = tpu.memref_slice %arg2[%dma_start3A_92, %dma_start3A_93] : memref<100000x128xf32, #tpu.memory_space<hbm>> -> memref<100000x128xf32, #tpu.memory_space<hbm>>
    tpu.enqueue_indirect_dma source(%dma_start3A_94 : memref<100000x128xf32, #tpu.memory_space<hbm>>) target(%arg6 : memref<128x128xf32, #tpu.memory_space<vmem>>) offsets(%dma_start3A_91 : memref<128xi32, #tpu.memory_space<vmem>>) semaphore(%arg8 : memref<!tpu.dma_semaphore, #tpu.memory_space<semaphore_mem>>)
    %dma_wait3A_95 = arith.constant 5 : i32
    %dma_wait3A_96 = arith.constant 0 : i32
    %dma_wait3A_97 = tpu.memref_slice %arg5[%dma_wait3A_95, %dma_wait3A_96] : memref<8x128xi32, #tpu.memory_space<vmem>> -> memref<1x128xi32, #tpu.memory_space<vmem>>
    %dma_wait3A_98 = tpu.memref_squeeze %dma_wait3A_97 : memref<1x128xi32, #tpu.memory_space<vmem>> -> memref<128xi32, #tpu.memory_space<vmem>>
    %dma_wait3A_99 = arith.constant 0 : i32
    %dma_wait3A_100 = arith.constant 0 : i32
    %dma_wait3A_101 = tpu.memref_slice %arg2[%dma_wait3A_99, %dma_wait3A_100] : memref<100000x128xf32, #tpu.memory_space<hbm>> -> memref<100000x128xf32, #tpu.memory_space<hbm>>
    tpu.wait_indirect_dma semaphore(%arg9 : memref<!tpu.dma_semaphore, #tpu.memory_space<semaphore_mem>>) src(%dma_wait3A_101 : memref<100000x128xf32, #tpu.memory_space<hbm>>) dst(%arg7 : memref<128x128xf32, #tpu.memory_space<vmem>>)
    %add3A_102 = arith.constant 640 : i32
    %add3A_103 = arith.addi %mul3A_2, %add3A_102 : i32
    "tpu.region"() ({
      %run_scoped3A = tpu.sem_alloc : memref<!tpu.dma_semaphore, #tpu.memory_space<semaphore_mem>>
      %dma_start3A_129 = arith.constant 0 : i32
      %dma_start3A_130 = tpu.memref_slice %arg4[%add3A_103, %dma_start3A_129] : memref<32768x128xf32, #tpu.memory_space<hbm>> -> memref<128x128xf32, #tpu.memory_space<hbm>>
      %dma_start3A_131 = arith.constant 0 : i32
      %dma_start3A_132 = tpu.memref_slice %arg4[%add3A_103, %dma_start3A_131] : memref<32768x128xf32, #tpu.memory_space<hbm>> -> memref<128x128xf32, #tpu.memory_space<hbm>>
      tpu.enqueue_dma source(%arg7 : memref<128x128xf32, #tpu.memory_space<vmem>>) target(%dma_start3A_132 : memref<128x128xf32, #tpu.memory_space<hbm>>) target_semaphore(%run_scoped3A : memref<!tpu.dma_semaphore, #tpu.memory_space<semaphore_mem>>)
      %dma_wait3A_133 = arith.constant 0 : i32
      %dma_wait3A_134 = tpu.memref_slice %arg4[%add3A_103, %dma_wait3A_133] : memref<32768x128xf32, #tpu.memory_space<hbm>> -> memref<128x128xf32, #tpu.memory_space<hbm>>
      %dma_wait3A_135 = arith.constant 0 : i32
      %dma_wait3A_136 = tpu.memref_slice %arg4[%add3A_103, %dma_wait3A_135] : memref<32768x128xf32, #tpu.memory_space<hbm>> -> memref<128x128xf32, #tpu.memory_space<hbm>>
      tpu.wait_dma2 semaphore(%run_scoped3A : memref<!tpu.dma_semaphore, #tpu.memory_space<semaphore_mem>>) src(%arg7 : memref<128x128xf32, #tpu.memory_space<vmem>>) dst(%dma_wait3A_136 : memref<128x128xf32, #tpu.memory_space<hbm>>)
      tpu.yield
    }) : () -> ()
    %dma_start3A_104 = arith.constant 7 : i32
    %dma_start3A_105 = arith.constant 0 : i32
    %dma_start3A_106 = tpu.memref_slice %arg5[%dma_start3A_104, %dma_start3A_105] : memref<8x128xi32, #tpu.memory_space<vmem>> -> memref<1x128xi32, #tpu.memory_space<vmem>>
    %dma_start3A_107 = tpu.memref_squeeze %dma_start3A_106 : memref<1x128xi32, #tpu.memory_space<vmem>> -> memref<128xi32, #tpu.memory_space<vmem>>
    %dma_start3A_108 = arith.constant 0 : i32
    %dma_start3A_109 = arith.constant 0 : i32
    %dma_start3A_110 = tpu.memref_slice %arg2[%dma_start3A_108, %dma_start3A_109] : memref<100000x128xf32, #tpu.memory_space<hbm>> -> memref<100000x128xf32, #tpu.memory_space<hbm>>
    tpu.enqueue_indirect_dma source(%dma_start3A_110 : memref<100000x128xf32, #tpu.memory_space<hbm>>) target(%arg7 : memref<128x128xf32, #tpu.memory_space<vmem>>) offsets(%dma_start3A_107 : memref<128xi32, #tpu.memory_space<vmem>>) semaphore(%arg9 : memref<!tpu.dma_semaphore, #tpu.memory_space<semaphore_mem>>)
    %dma_wait3A_111 = arith.constant 6 : i32
    %dma_wait3A_112 = arith.constant 0 : i32
    %dma_wait3A_113 = tpu.memref_slice %arg5[%dma_wait3A_111, %dma_wait3A_112] : memref<8x128xi32, #tpu.memory_space<vmem>> -> memref<1x128xi32, #tpu.memory_space<vmem>>
    %dma_wait3A_114 = tpu.memref_squeeze %dma_wait3A_113 : memref<1x128xi32, #tpu.memory_space<vmem>> -> memref<128xi32, #tpu.memory_space<vmem>>
    %dma_wait3A_115 = arith.constant 0 : i32
    %dma_wait3A_116 = arith.constant 0 : i32
    %dma_wait3A_117 = tpu.memref_slice %arg2[%dma_wait3A_115, %dma_wait3A_116] : memref<100000x128xf32, #tpu.memory_space<hbm>> -> memref<100000x128xf32, #tpu.memory_space<hbm>>
    tpu.wait_indirect_dma semaphore(%arg8 : memref<!tpu.dma_semaphore, #tpu.memory_space<semaphore_mem>>) src(%dma_wait3A_117 : memref<100000x128xf32, #tpu.memory_space<hbm>>) dst(%arg6 : memref<128x128xf32, #tpu.memory_space<vmem>>)
    %add3A_118 = arith.constant 768 : i32
    %add3A_119 = arith.addi %mul3A_2, %add3A_118 : i32
    "tpu.region"() ({
      %run_scoped3A = tpu.sem_alloc : memref<!tpu.dma_semaphore, #tpu.memory_space<semaphore_mem>>
      %dma_start3A_129 = arith.constant 0 : i32
      %dma_start3A_130 = tpu.memref_slice %arg4[%add3A_119, %dma_start3A_129] : memref<32768x128xf32, #tpu.memory_space<hbm>> -> memref<128x128xf32, #tpu.memory_space<hbm>>
      %dma_start3A_131 = arith.constant 0 : i32
      %dma_start3A_132 = tpu.memref_slice %arg4[%add3A_119, %dma_start3A_131] : memref<32768x128xf32, #tpu.memory_space<hbm>> -> memref<128x128xf32, #tpu.memory_space<hbm>>
      tpu.enqueue_dma source(%arg6 : memref<128x128xf32, #tpu.memory_space<vmem>>) target(%dma_start3A_132 : memref<128x128xf32, #tpu.memory_space<hbm>>) target_semaphore(%run_scoped3A : memref<!tpu.dma_semaphore, #tpu.memory_space<semaphore_mem>>)
      %dma_wait3A_133 = arith.constant 0 : i32
      %dma_wait3A_134 = tpu.memref_slice %arg4[%add3A_119, %dma_wait3A_133] : memref<32768x128xf32, #tpu.memory_space<hbm>> -> memref<128x128xf32, #tpu.memory_space<hbm>>
      %dma_wait3A_135 = arith.constant 0 : i32
      %dma_wait3A_136 = tpu.memref_slice %arg4[%add3A_119, %dma_wait3A_135] : memref<32768x128xf32, #tpu.memory_space<hbm>> -> memref<128x128xf32, #tpu.memory_space<hbm>>
      tpu.wait_dma2 semaphore(%run_scoped3A : memref<!tpu.dma_semaphore, #tpu.memory_space<semaphore_mem>>) src(%arg6 : memref<128x128xf32, #tpu.memory_space<vmem>>) dst(%dma_wait3A_136 : memref<128x128xf32, #tpu.memory_space<hbm>>)
      tpu.yield
    }) : () -> ()
    %dma_wait3A_120 = arith.constant 7 : i32
    %dma_wait3A_121 = arith.constant 0 : i32
    %dma_wait3A_122 = tpu.memref_slice %arg5[%dma_wait3A_120, %dma_wait3A_121] : memref<8x128xi32, #tpu.memory_space<vmem>> -> memref<1x128xi32, #tpu.memory_space<vmem>>
    %dma_wait3A_123 = tpu.memref_squeeze %dma_wait3A_122 : memref<1x128xi32, #tpu.memory_space<vmem>> -> memref<128xi32, #tpu.memory_space<vmem>>
    %dma_wait3A_124 = arith.constant 0 : i32
    %dma_wait3A_125 = arith.constant 0 : i32
    %dma_wait3A_126 = tpu.memref_slice %arg2[%dma_wait3A_124, %dma_wait3A_125] : memref<100000x128xf32, #tpu.memory_space<hbm>> -> memref<100000x128xf32, #tpu.memory_space<hbm>>
    tpu.wait_indirect_dma semaphore(%arg9 : memref<!tpu.dma_semaphore, #tpu.memory_space<semaphore_mem>>) src(%dma_wait3A_126 : memref<100000x128xf32, #tpu.memory_space<hbm>>) dst(%arg7 : memref<128x128xf32, #tpu.memory_space<vmem>>)
    %add3A_127 = arith.constant 896 : i32
    %add3A_128 = arith.addi %mul3A_2, %add3A_127 : i32
    "tpu.region"() ({
      %run_scoped3A = tpu.sem_alloc : memref<!tpu.dma_semaphore, #tpu.memory_space<semaphore_mem>>
      %dma_start3A_129 = arith.constant 0 : i32
      %dma_start3A_130 = tpu.memref_slice %arg4[%add3A_128, %dma_start3A_129] : memref<32768x128xf32, #tpu.memory_space<hbm>> -> memref<128x128xf32, #tpu.memory_space<hbm>>
      %dma_start3A_131 = arith.constant 0 : i32
      %dma_start3A_132 = tpu.memref_slice %arg4[%add3A_128, %dma_start3A_131] : memref<32768x128xf32, #tpu.memory_space<hbm>> -> memref<128x128xf32, #tpu.memory_space<hbm>>
      tpu.enqueue_dma source(%arg7 : memref<128x128xf32, #tpu.memory_space<vmem>>) target(%dma_start3A_132 : memref<128x128xf32, #tpu.memory_space<hbm>>) target_semaphore(%run_scoped3A : memref<!tpu.dma_semaphore, #tpu.memory_space<semaphore_mem>>)
      %dma_wait3A_133 = arith.constant 0 : i32
      %dma_wait3A_134 = tpu.memref_slice %arg4[%add3A_128, %dma_wait3A_133] : memref<32768x128xf32, #tpu.memory_space<hbm>> -> memref<128x128xf32, #tpu.memory_space<hbm>>
      %dma_wait3A_135 = arith.constant 0 : i32
      %dma_wait3A_136 = tpu.memref_slice %arg4[%add3A_128, %dma_wait3A_135] : memref<32768x128xf32, #tpu.memory_space<hbm>> -> memref<128x128xf32, #tpu.memory_space<hbm>>
      tpu.wait_dma2 semaphore(%run_scoped3A : memref<!tpu.dma_semaphore, #tpu.memory_space<semaphore_mem>>) src(%arg7 : memref<128x128xf32, #tpu.memory_space<vmem>>) dst(%dma_wait3A_136 : memref<128x128xf32, #tpu.memory_space<hbm>>)
      tpu.yield
    }) : () -> ()
    return
  }
}

module attributes {stable_mosaic.version = 14 : i64} {
  func.func @_ln_body(%arg0: i32, %arg1: memref<2048x128xf32, #tpu.memory_space<vmem>>, %arg2: memref<2048x128xf32, #tpu.memory_space<vmem>>, %arg3: memref<2048x1xi32, #tpu.memory_space<vmem>>, %arg4: memref<2x128xf32, #tpu.memory_space<vmem>>, %arg5: memref<1x128xf32, #tpu.memory_space<vmem>>, %arg6: memref<1x128xf32, #tpu.memory_space<vmem>>, %arg7: memref<2048x128xf32, #tpu.memory_space<vmem>>) attributes {dimension_semantics = [#tpu.dimension_semantics<arbitrary>], iteration_bounds = array<i64: 16>, scalar_prefetch = 0 : i64, scratch_operands = 0 : i64, tpu.core_type = #tpu.core_type<tc>, window_params = [{transform_indices = @transform_0, window_bounds = array<i64: 2048, 128>}, {transform_indices = @transform_1, window_bounds = array<i64: 2048, 128>}, {transform_indices = @transform_2, window_bounds = array<i64: 2048, 1>}, {pipeline_mode = #tpu.pipeline_mode<synchronous>, transform_indices = @transform_3, window_bounds = array<i64: 2, 128>}, {pipeline_mode = #tpu.pipeline_mode<synchronous>, transform_indices = @transform_4, window_bounds = array<i64: 1, 128>}, {pipeline_mode = #tpu.pipeline_mode<synchronous>, transform_indices = @transform_5, window_bounds = array<i64: 1, 128>}, {transform_indices = @transform_6, window_bounds = array<i64: 2048, 128>}]} {
    %get3A = arith.constant 0 : index
    %get3A_0 = arith.constant 0 : index
    %get3A_1 = vector.load %arg1[%get3A, %get3A_0] : memref<2048x128xf32, #tpu.memory_space<vmem>>, vector<2048x128xf32>
    %get3A_2 = arith.constant 0 : index
    %get3A_3 = arith.constant 0 : index
    %get3A_4 = vector.load %arg2[%get3A_2, %get3A_3] : memref<2048x128xf32, #tpu.memory_space<vmem>>, vector<2048x128xf32>
    %get3A_5 = arith.constant 0 : index
    %get3A_6 = arith.constant 0 : index
    %get3A_7 = vector.load %arg3[%get3A_5, %get3A_6] : memref<2048x1xi32, #tpu.memory_space<vmem>>, vector<2048x1xi32>
    %get3A_8 = arith.constant 0 : index
    %get3A_9 = arith.constant 0 : index
    %get3A_10 = vector.load %arg4[%get3A_8, %get3A_9] : memref<2x128xf32, #tpu.memory_space<vmem>>, vector<1x128xf32>
    %get3A_11 = arith.constant 1 : index
    %get3A_12 = arith.constant 0 : index
    %get3A_13 = vector.load %arg4[%get3A_11, %get3A_12] : memref<2x128xf32, #tpu.memory_space<vmem>>, vector<1x128xf32>
    %ne3A = arith.constant 0 : i32
    %ne3A_14 = vector.broadcast %ne3A : i32 to vector<2048x1xi32>
    %ne3A_15 = arith.cmpi ne, %get3A_7, %ne3A_14 : vector<2048x1xi32>
    %broadcast_in_dim3A = vector.shape_cast %ne3A_15 : vector<2048x1xi1> to vector<2048x1xi1>
    %broadcast_in_dim3A_16 = vector.broadcast %broadcast_in_dim3A : vector<2048x1xi1> to vector<2048x128xi1>
    %broadcast_in_dim3A_17 = vector.shape_cast %get3A_13 : vector<1x128xf32> to vector<1x128xf32>
    %broadcast_in_dim3A_18 = vector.broadcast %broadcast_in_dim3A_17 : vector<1x128xf32> to vector<2048x128xf32>
    %broadcast_in_dim3A_19 = vector.shape_cast %get3A_10 : vector<1x128xf32> to vector<1x128xf32>
    %broadcast_in_dim3A_20 = vector.broadcast %broadcast_in_dim3A_19 : vector<1x128xf32> to vector<2048x128xf32>
    %select_n3A = arith.select %broadcast_in_dim3A_16, %broadcast_in_dim3A_18, %broadcast_in_dim3A_20 : vector<2048x128xi1>, vector<2048x128xf32>
    %add3A = arith.addf %get3A_1, %get3A_4 : vector<2048x128xf32>
    %add3A_21 = arith.addf %add3A, %select_n3A : vector<2048x128xf32>
    %reduce_sum3A = arith.constant dense<0.000000e+00> : vector<2048xf32>
    %reduce_sum3A_22 = vector.multi_reduction <add>, %add3A_21, %reduce_sum3A [1] : vector<2048x128xf32> to vector<2048xf32>
    %broadcast_in_dim3A_23 = vector.shape_cast %reduce_sum3A_22 : vector<2048xf32> to vector<2048x1xf32>
    %div3A = arith.constant 1.280000e+02 : f32
    %div3A_24 = vector.broadcast %div3A : f32 to vector<2048x1xf32>
    %div3A_25 = arith.divf %broadcast_in_dim3A_23, %div3A_24 : vector<2048x1xf32>
    %sub3A = vector.broadcast %div3A_25 : vector<2048x1xf32> to vector<2048x128xf32>
    %sub3A_26 = arith.subf %add3A_21, %sub3A : vector<2048x128xf32>
    %mul3A = arith.mulf %sub3A_26, %sub3A_26 : vector<2048x128xf32>
    %reduce_sum3A_27 = arith.constant dense<0.000000e+00> : vector<2048xf32>
    %reduce_sum3A_28 = vector.multi_reduction <add>, %mul3A, %reduce_sum3A_27 [1] : vector<2048x128xf32> to vector<2048xf32>
    %broadcast_in_dim3A_29 = vector.shape_cast %reduce_sum3A_28 : vector<2048xf32> to vector<2048x1xf32>
    %div3A_30 = arith.constant 1.280000e+02 : f32
    %div3A_31 = vector.broadcast %div3A_30 : f32 to vector<2048x1xf32>
    %div3A_32 = arith.divf %broadcast_in_dim3A_29, %div3A_31 : vector<2048x1xf32>
    %add3A_33 = arith.constant 9.99999996E-13 : f32
    %add3A_34 = vector.broadcast %add3A_33 : f32 to vector<2048x1xf32>
    %add3A_35 = arith.addf %div3A_32, %add3A_34 : vector<2048x1xf32>
    %rsqrt3A = math.rsqrt %add3A_35 : vector<2048x1xf32>
    %mul3A_36 = vector.broadcast %rsqrt3A : vector<2048x1xf32> to vector<2048x128xf32>
    %mul3A_37 = arith.mulf %sub3A_26, %mul3A_36 : vector<2048x128xf32>
    %get3A_38 = arith.constant 0 : index
    %get3A_39 = arith.constant 0 : index
    %get3A_40 = vector.load %arg5[%get3A_38, %get3A_39] : memref<1x128xf32, #tpu.memory_space<vmem>>, vector<1x128xf32>
    %mul3A_41 = vector.broadcast %get3A_40 : vector<1x128xf32> to vector<2048x128xf32>
    %mul3A_42 = arith.mulf %mul3A_37, %mul3A_41 : vector<2048x128xf32>
    %get3A_43 = arith.constant 0 : index
    %get3A_44 = arith.constant 0 : index
    %get3A_45 = vector.load %arg6[%get3A_43, %get3A_44] : memref<1x128xf32, #tpu.memory_space<vmem>>, vector<1x128xf32>
    %add3A_46 = vector.broadcast %get3A_45 : vector<1x128xf32> to vector<2048x128xf32>
    %add3A_47 = arith.addf %mul3A_42, %add3A_46 : vector<2048x128xf32>
    %swap3A = arith.constant 0 : index
    %swap3A_48 = arith.constant 0 : index
    %swap3A_49 = vector.load %arg7[%swap3A, %swap3A_48] : memref<2048x128xf32, #tpu.memory_space<vmem>>, vector<2048x128xf32>
    tpu.vector_store %arg7[%swap3A, %swap3A_48], %add3A_47 {strides = array<i32>} : memref<2048x128xf32, #tpu.memory_space<vmem>>, vector<2048x128xf32>,
    return
  }
  func.func @transform_0(%arg0: i32) -> (i32, i32) {
    %c0_i32 = arith.constant 0 : i32
    %c0_i32_0 = arith.constant 0 : i32
    return %arg0, %c0_i32 : i32, i32
  }
  func.func @transform_1(%arg0: i32) -> (i32, i32) {
    %jit3A = arith.constant 4 : i32
    %eq3A = arith.constant 0 : i32
    %eq3A_0 = arith.cmpi eq, %jit3A, %eq3A : i32
    %jit3A_1 = arith.constant 1 : i32
    %select_n3A = arith.select %eq3A_0, %jit3A_1, %jit3A : i32
    %rem3A = arith.remsi %arg0, %select_n3A : i32
    %ne3A = arith.constant 0 : i32
    %ne3A_2 = arith.cmpi ne, %rem3A, %ne3A : i32
    %lt3A = arith.constant 0 : i32
    %lt3A_3 = arith.cmpi slt, %rem3A, %lt3A : i32
    %lt3A_4 = arith.constant 0 : i32
    %lt3A_5 = arith.cmpi slt, %select_n3A, %lt3A_4 : i32
    %ne3A_6 = arith.xori %lt3A_3, %lt3A_5 : i1
    %and3A = arith.andi %ne3A_6, %ne3A_2 : i1
    %add3A = arith.addi %rem3A, %select_n3A : i32
    %select_n3A_7 = arith.select %and3A, %add3A, %rem3A : i32
    %c0_i32 = arith.constant 0 : i32
    %c0_i32_8 = arith.constant 0 : i32
    return %select_n3A_7, %c0_i32 : i32, i32
  }
  func.func @transform_2(%arg0: i32) -> (i32, i32) {
    %c0_i32 = arith.constant 0 : i32
    %c0_i32_0 = arith.constant 0 : i32
    return %arg0, %c0_i32 : i32, i32
  }
  func.func @transform_3(%arg0: i32) -> (i32, i32) {
    %c0_i32 = arith.constant 0 : i32
    %c0_i32_0 = arith.constant 0 : i32
    %c0_i32_1 = arith.constant 0 : i32
    return %c0_i32, %c0_i32_0 : i32, i32
  }
  func.func @transform_4(%arg0: i32) -> (i32, i32) {
    %c0_i32 = arith.constant 0 : i32
    %c0_i32_0 = arith.constant 0 : i32
    %c0_i32_1 = arith.constant 0 : i32
    return %c0_i32, %c0_i32_0 : i32, i32
  }
  func.func @transform_5(%arg0: i32) -> (i32, i32) {
    %c0_i32 = arith.constant 0 : i32
    %c0_i32_0 = arith.constant 0 : i32
    %c0_i32_1 = arith.constant 0 : i32
    return %c0_i32, %c0_i32_0 : i32, i32
  }
  func.func @transform_6(%arg0: i32) -> (i32, i32) {
    %c0_i32 = arith.constant 0 : i32
    %c0_i32_0 = arith.constant 0 : i32
    return %arg0, %c0_i32 : i32, i32
  }
}

</mosaic_0001>

<sc_bundles>
// kernel: kernel.4.cloned.1.call-start
scs
__scs_entry_jumppad:
0x0: {  	(pc) =	sbr.rel $0x88, $3  }
0x1: {  	(tag) =	ssettag $0x0;
	lr =	simm.s32 $0x1  }
0x2: {  	[smem:$0x3F9A] =	sst lr;
	_ =	strace $0xD0000000  }
0x3: {  	_ = 	snop  }
0x4: {  	_ = 	snop  }
0x5: {  	_ = 	snop  }
0x6: {  	_ = 	snop  }
0x7: {  	_ = 	snop  }
__scs_overlays_trampoline_lowered:
0x8: {  	[smem:$0x3FA9] =	sst s0  }
0x9: {  	[smem:$0x3FAA] =	sst s1  }
0xa: {  	[smem:$0x3FAB] =	sst s2  }
0xb: {  	[smem:$0x3FAC] =	sst s3  }
0xc: {  	[smem:$0x3FAD] =	sst s4  }
0xd: {  	[smem:$0x3FAE] =	sst s5  }
0xe: {  	[smem:$0x3FAF] =	sst s6  }
0xf: {  	[smem:$0x3FB0] =	sst s7  }
0x10: {  	[smem:$0x3FB1] =	sst s8  }
0x11: {  	[smem:$0x3FB2] =	sst s9;
	s0 =	simm.s32 @!p0 $0x0  }
0x12: {  	s1 =	sld [smem:$0x3F98];
	s0 =	simm.s32 @p0 $0x1  }
0x13: {  	[smem:$0x3FB3] =	sst s0;
	s0 =	simm.s32 @!p1 $0x0  }
0x14: {  	s2 =	sld [smem:$0x3F97];
	s0 =	simm.s32 @p1 $0x1  }
0x15: {  	[smem:$0x3FB4] =	sst s0;
	s0 =	simm.s32 @!p2 $0x0  }
0x16: {  	s3 =	sld [smem:$0x3FDB];
	s0 =	simm.s32 @p2 $0x1  }
0x17: {  	s4 =	simm.s32 $0x1BF5;
	[smem:$0x3FB6] =	sst s0  }
0x18: {  	s0 =	sld [smem:$0x3F99];
	_ =	swait.ge [sflag:s4], $0x0  }
0x19: {  	s7 =	sld [smem:$0x3F9A]  }
0x1a: {  	s8 =	sadd.s32 $0xFFFFE003, lr  }
0x1b: {  	s9 =	sadd.s32 $0xFFFFFEF7, lr;
	s5 =	simm.s32 $0xFFFFFFFF;
	p2 =	slt.u32 s8, $0xFFFFF086  }
0x1c: {  	p1 =	slt.u32 s9, $0xF7A;
	s5 =	simm.s32 @!p2 $0x0  }
0x1d: {  	s5 =	simm.s32 @p1 $0x1;
	p0 =	seq.s32 s7, s2  }
0x1e: {  	s7 =	smul.u32 @!p0 $0xF7A, s2;
	p2 =	seq.s32 @!p0 s5, $0x0  }
0x1f: {  	s9 =	smul.u32 $0xF7A, s1;
	s8 =	simm.s32 @!p0 $0x1BF5;
	p2 =	por !p2, p0  }
0x20: {  	[sflag:s8] =	ssyncset.s32 @!p0 $0xFFFFF086;
	s6 =	sadd.s32 @!p0 s3, s7;
	s7 =	simm.s32 @!p0 $0x108  }
0x21: {  	s3 =	sadd.s32 s3, s9;
	s6 =	sadd.s32 @!p0 $0x88, s6;
	s7 =	simm.s32 @p2 $0x1082  }
0x22: {  	[simem:s7], [sflag:s8] =	dma.local @!p0 [hbm:s6], $0xF7A  }
0x23: {  	s9 =	sor.u32 $0xD0000000, s2;
	s6 =	simm.s32 $0x108;
	_ =	swait.ge @!p0 [sflag:s8], $0x0  }
0x24: {  	s3 =	sadd.s32 $0x88, s3;
	s6 =	simm.s32 @!p1 $0x1082;
	[sflag:s4] =	ssyncset.s32 $0xFFFFF086  }
0x25: {  	[simem:s6], [sflag:s4] =	dma.local [hbm:s3], $0xF7A  }
0x26: {  	[smem:$0x3F9A] =	sst s1;
	(tag) =	ssettag s2;
	_ =	strace s9  }
0x27: {  	s1 =	sld [smem:$0x3FAA]  }
0x28: {  	s2 =	sld [smem:$0x3FAB]  }
0x29: {  	s4 =	sld [smem:$0x3FAD]  }
0x2a: {  	p0 =	seq.s32 s5, $0x0;
	s5 =	sld [smem:$0x3FAE]  }
0x2b: {  	s6 =	sld [smem:$0x3FAF]  }
0x2c: {  	s7 =	sld [smem:$0x3FB0]  }
0x2d: {  	s3 =	simm.s32 $0x108;
	s8 =	sld [smem:$0x3FB1]  }
0x2e: {  	s3 =	simm.s32 @!p0 $0x1082;
	s9 =	sld [smem:$0x3FB2]  }
0x2f: {  	lr =	sadd.s32 s0, s3;
	s0 =	sld [smem:$0x3FA9]  }
0x30: {  	s3 =	sld [smem:$0x3FAC]  }
0x31: {  	[smem:$0x3FB5] =	sst s10  }
0x32: {  	s10 =	sld [smem:$0x3FB3];
	_ =	sdelay $0x3  }
0x33: {  	p0 =	seq.s32 s10, $0x1;
	s10 =	sld [smem:$0x3FB5];
	_ =	sdelay $0x3  }
0x34: {  	[smem:$0x3FB5] =	sst s10  }
0x35: {  	s10 =	sld [smem:$0x3FB4];
	_ =	sdelay $0x3  }
0x36: {  	p1 =	seq.s32 s10, $0x1;
	s10 =	sld [smem:$0x3FB5];
	_ =	sdelay $0x3  }
0x37: {  	[smem:$0x3FB5] =	sst s10  }
0x38: {  	s10 =	sld [smem:$0x3FB6]  }
0x39: {  	_ = 	snop;
	(pc) =	sbr.ind lr, $3  }
0x3a: {  	_ = 	snop  }
0x3b: {  	_ = 	snop  }
0x3c: {  	p2 =	seq.s32 s10, $0x1;
	s10 =	sld [smem:$0x3FB5]  }
0x3d: {  	_ =	shalt  }
0x3e: {  	_ =	shalt  }
0x3f: {  	_ =	shalt  }
0x40: {  	_ =	shalt  }
0x41: {  	_ =	shalt  }
0x42: {  	_ =	shalt  }
0x43: {  	_ =	shalt  }
0x44: {  	_ =	shalt  }
0x45: {  	_ =	shalt  }
0x46: {  	_ =	shalt  }
0x47: {  	_ =	shalt  }
0x48: {  	_ =	shalt  }
0x49: {  	_ =	shalt  }
0x4a: {  	_ =	shalt  }
0x4b: {  	_ =	shalt  }
0x4c: {  	_ =	shalt  }
0x4d: {  	_ =	shalt  }
0x4e: {  	_ =	shalt  }
0x4f: {  	_ =	shalt  }
0x50: {  	_ =	shalt  }
0x51: {  	_ =	shalt  }
0x52: {  	_ =	shalt  }
0x53: {  	_ =	shalt  }
0x54: {  	_ =	shalt  }
0x55: {  	_ =	shalt  }
0x56: {  	_ =	shalt  }
0x57: {  	_ =	shalt  }
0x58: {  	_ =	shalt  }
0x59: {  	_ =	shalt  }
0x5a: {  	_ =	shalt  }
0x5b: {  	_ =	shalt  }
0x5c: {  	_ =	shalt  }
0x5d: {  	_ =	shalt  }
0x5e: {  	_ =	shalt  }
0x5f: {  	_ =	shalt  }
0x60: {  	_ =	shalt  }
0x61: {  	_ =	shalt  }
0x62: {  	_ =	shalt  }
0x63: {  	_ =	shalt  }
0x64: {  	_ =	shalt  }
0x65: {  	_ =	shalt  }
0x66: {  	_ =	shalt  }
0x67: {  	_ =	shalt  }
0x68: {  	_ =	shalt  }
0x69: {  	_ =	shalt  }
0x6a: {  	_ =	shalt  }
0x6b: {  	_ =	shalt  }
0x6c: {  	_ =	shalt  }
0x6d: {  	_ =	shalt  }
0x6e: {  	_ =	shalt  }
0x6f: {  	_ =	shalt  }
0x70: {  	_ =	shalt  }
0x71: {  	_ =	shalt  }
0x72: {  	_ =	shalt  }
0x73: {  	_ =	shalt  }
0x74: {  	_ =	shalt  }
0x75: {  	_ =	shalt  }
0x76: {  	_ =	shalt  }
0x77: {  	_ =	shalt  }
0x78: {  	_ =	shalt  }
0x79: {  	_ =	shalt  }
0x7a: {  	_ =	shalt  }
0x7b: {  	_ =	shalt  }
0x7c: {  	_ =	shalt  }
0x7d: {  	_ =	shalt  }
0x7e: {  	_ =	shalt  }
0x7f: {  	_ =	shalt  }
0x80: {  	_ =	shalt  }
0x81: {  	_ =	shalt  }
0x82: {  	_ =	shalt  }
0x83: {  	_ =	shalt  }
0x84: {  	_ =	shalt  }
0x85: {  	_ =	shalt  }
0x86: {  	_ =	shalt  }
0x87: {  	_ =	shalt  }
.Lfunc_end0:
.L_simem_size_0:
called_computation_lowered:
.L_overlay_start_0:
0x88: {  	s2 =	sld [smem:$0x3FD9]  }
0x89: {  	s3 =	sld [smem:$0x3FFE];
	_ =	sdelay $0x1  }
0x8a: {  	s1 =	srdreg.scid  }
0x8b: {  	s0 =	sand.u32 $0x1, s1  }
0x8c: {  	s17 =	sshll.u32 s0, $0xA;
	s2 =	sadd.s32 s3, s2  }
0x8d: {  	s2 =	sadd.s32 s2, s17  }
0x8e: {  	[smem:$0x3FC1] =	sst s2  }
0x8f: {  	_ = 	snop  }
0x90: {  	s2 =	sld [smem:$0x3FC7]  }
0x91: {  	s18 =	sld [smem:$0x3FD0];
	(tm) =	ssettm $0x1  }
0x92: {  	s4 =	sld [smem:$0x3FFB];
	_ =	sdelay $0x3  }
0x93: {  	_ =	strace s4  }
0x94: {  	s4 =	sld [smem:$0x3FFC];
	_ =	sdelay $0x3  }
0x95: {  	_ =	strace s4  }
0x96: {  	s4 =	sld [smem:$0x3FFD];
	_ =	sdelay $0x3  }
0x97: {  	_ =	strace s4  }
0x98: {  	_ =	strace $0x8FFFFFFF  }
0x99: {  	s19 =	sld [smem:$0x3FDB];
	_ =	sdelay $0x1  }
0x9a: {  	s5 =	simm.s32 $_scs_section_size  }
0x9b: {  	s6 =	simm.s32 $_size__tile_overlayer_lowered;
	s7 =	simm.s32 $_tile_overlayer_lowered  }
0x9c: {  	s22 =	simm.s32 $0x1BFF;
	s21 =	sshll.u32 s7, $0x1;
	s4 =	sadd.s32 s5, s19  }
0x9d: {  	s8 =	simm.s32 $0x0;
	s20 =	sshll.u32 s6, $0x1;
	s6 =	sadd.s32 s21, s4  }
0x9e: {  	[timem:s8], [sflag:s22] =	dma.local [hbm:s6], s20  }
0x9f: {  	_ =	swait.ge [sflag:s22], s20  }
0xa0: {  	s5 =	ssub.s32 $0x0, s20;
	[sflag:s22] =	ssyncset.done $0x0  }
0xa1: {  	[sflag:s22] =	ssyncadd.s32 s5;
	_ =	sdelay $0x1  }
0xa2: {  	s23 =	simm.s32 $0x1B8B  }
0xa3: {  	_ =	swait.ge [sflag:s23], $0x1  }
0xa4: {  	[sflag:s23] =	ssyncset.done $0x0  }
0xa5: {  	s25 =	simm.s32 $0x1B8E;
	s24 =	sld [smem:$0x3FFE];
	[sflag:s23] =	ssyncadd.s32 $0xFFFFFFFF  }
0xa6: {  	s26 =	simm.s32 $execute0_lowered;
	[smem:$0x3FD2] =	sst s25  }
0xa7: {  	s6 =	sshll.u32 s26, $0x1;
	_ =	strace $0x80000046;
	[dreg:$0x1] =	wrdreg $0xFFFFFFFF  }
0xa8: {  	s28 =	simm.s32 $_size_execute0_lowered;
	s4 =	sadd.s32 s4, s6;
	[dreg:$0x0] =	wrdreg $0x0  }
0xa9: {  	s6 =	sshll.u32 s28, $0x1;
	[dreg:$0x2] =	wrdreg s4  }
0xaa: {  	[dreg:$0x3] =	wrdreg s6  }
0xab: {  	[dreg:$0x4] =	wrdreg $0xC0  }
0xac: {  	_ =	task [dreg:s8], $0x5FFFF  }
0xad: {  	[dreg:$0x1] =	wrdreg $0xFFFFFFFF  }
0xae: {  	[dreg:$0x0] =	wrdreg $0x60  }
0xaf: {  	[dreg:$0x2] =	wrdreg s2  }
0xb0: {  	[dreg:$0x3] =	wrdreg s24  }
0xb1: {  	[dreg:$0x4] =	wrdreg s18  }
0xb2: {  	[dreg:$0x5] =	wrdreg $0x9  }
0xb3: {  	_ =	task.clear_ibuf [dreg:s8], $0x6FFFF;
	_ =	strace $0x90000046  }
0xb4: {  	s29 =	simm.s32 $0x9;
	_ =	strace $0x80000048  }
0xb5: {  	_ =	swait.ge [sflag:s29], $0x1  }
0xb6: {  	[sflag:s29] =	ssyncadd.s32 $0xFFFFFFFF  }
0xb7: {  	_ =	strace $0x90000048  }
0xb8: {  	_ =	sfence  }
0xb9: {  	s30 =	sld [smem:$0x0];
	_ =	sdelay $0x2  }
0xba: {  	s31 =	sshll.u32 s1, $0xD;
	s1 =	sshrl.u32 s1, $0x2  }
0xbb: {  	s3 =	sand.u32 $0x4000, s31;
	s1 =	sadd.s32 s1, s30  }
0xbc: {  	s0 =	sor.u32 s3, s0;
	s1 =	sshll.u32 s1, $0x11  }
0xbd: {  	s0 =	sor.u32 s1, s0  }
0xbe: {  	s0 =	sadd.s32 $0x8F2B, s0  }
0xbf: {  	[sflag:s0] =	ssyncadd.remote.s32 $0x1  }
0xc0: {  	_ =	sfence.sel $0xFFFF  }
0xc1: {  	[dreg:$0x0] =	wrdreg $0xFFFFFFFF;
	(pc) =	sbr.abs _section_cstart, $3  }
0xc2: {  	[dreg:$0x1] =	wrdreg $0xFFFFFFFF  }
0xc3: {  	_ =	task.clear_ibuf [dreg:s8], $0x2FFFF;
	_ =	strace $0x9FFFFFFF  }
0xc4: {  	(tm) =	ssettm $0x7FFFFFFF  }
0xc5: {  	_ =	shalt  }
tec
execute0_lowered:
.L_overlay_start_1:
0x0: {  	(tag) =	ssettag $0x1  }
0x1: {  	s2 =	srdreg.scid  }
0x2: {  	s1 =	rddreg [dreg:$0x0];
	s0 =	stileid.u32;
	s24 =	sand.u32 $0x1, s2  }
0x3: {  	s4 =	rddreg [dreg:$0x1];
	s31 =	sshll.u32 s0, $0xB;
	s3 =	sshll.u32 s24, $0xA  }
0x4: {  	s10 =	rddreg [dreg:$0x2];
	s11 =	sor.u32 s3, s31  }
0x5: {  	s2 =	rddreg [dreg:$0x3];
	s3 =	simm.s32 $0x0;
	s5 =	sshrl.u32 s11, $0x3  }
0x6: {  	[smem:$0x7FF] =	sst s3;
	s4 =	sadd.s32 s5, s4  }
0x7: {  	_ =	strace $0x80000047;
	s5 =	sadd.s32 $0x1000, s4;
	s4 =	simm.s32 $0x3  }
0x8: {  	[tilespmem:s3], [sflag:$0x3] =	stream.linear.gather [hbm4b:s5+s3], $0x400, $0x38;
	[tilespmem:$0x8400] =	vst v63  }
0x9: {  	_ =	swait.ge [sflag:s4], $0x400  }
0xa: {  	[sflag:s4] =	ssyncset.done $0x0  }
0xb: {  	s6 =	simm.s32 $0x80;
	s7 =	simm.s32 $0x400;
	[sflag:s4] =	ssyncadd.s32 $0xFFFFFC00  }
0xc: {  	[tilespmem:s7], [sflag:$0x1] =	stream.indirect.gather [hbm4b:s1+s6], $0x80, s3, s6, $0xb8;
	[tilespmem:$0x8400] =	vst v63  }
0xd: {  	s8 =	simm.s32 $0x4400;
	s9 =	simm.s32 $0x1  }
0xe: {  	[tilespmem:s8], [sflag:$0x2] =	stream.indirect.gather [hbm4b:s1+s6], $0x80, s6, s6, $0xb8;
	[tilespmem:$0x8400] =	vst v63  }
0xf: {  	_ =	swait.ge [sflag:s9], $0x4000  }
0x10: {  	s11 =	sshll.u32 s11, $0x4;
	[sflag:s9] =	ssyncset.done $0x0  }
0x11: {  	s10 =	sadd.s32 s10, s11;
	[sflag:s9] =	ssyncadd.s32 $0xFFFFC000  }
0x12: {  	[hbm4b:s10+s3] =	stream.linear.scatter [tilespmem:s7], [sflag:$0x3], $0x4000, $0x38;
	[tilespmem:$0x8400] =	vst v63  }
0x13: {  	_ =	swait.ge [sflag:s4], $0x4000  }
0x14: {  	[sflag:s4] =	ssyncset.done $0x0  }
0x15: {  	s12 =	simm.s32 $0x2;
	s11 =	simm.s32 $0x100;
	[sflag:s4] =	ssyncadd.s32 $0xFFFFC000  }
0x16: {  	[tilespmem:s7], [sflag:$0x1] =	stream.indirect.gather [hbm4b:s1+s6], $0x80, s11, s6, $0xb8;
	[tilespmem:$0x8400] =	vst v63  }
0x17: {  	_ =	swait.ge [sflag:s12], $0x4000  }
0x18: {  	[sflag:s12] =	ssyncset.done $0x0  }
0x19: {  	s13 =	sadd.s32 $0x800, s10;
	[sflag:s12] =	ssyncadd.s32 $0xFFFFC000  }
0x1a: {  	[hbm4b:s13+s3] =	stream.linear.scatter [tilespmem:s8], [sflag:$0x3], $0x4000, $0x38;
	[tilespmem:$0x8400] =	vst v63  }
0x1b: {  	_ =	swait.ge [sflag:s4], $0x4000  }
0x1c: {  	[sflag:s4] =	ssyncset.done $0x0  }
0x1d: {  	s14 =	simm.s32 $0x180;
	[sflag:s4] =	ssyncadd.s32 $0xFFFFC000  }
0x1e: {  	[tilespmem:s8], [sflag:$0x2] =	stream.indirect.gather [hbm4b:s1+s6], $0x80, s14, s6, $0xb8;
	[tilespmem:$0x8400] =	vst v63  }
0x1f: {  	_ =	swait.ge [sflag:s9], $0x4000  }
0x20: {  	[sflag:s9] =	ssyncset.done $0x0  }
0x21: {  	s15 =	sadd.s32 $0x1000, s10;
	[sflag:s9] =	ssyncadd.s32 $0xFFFFC000  }
0x22: {  	[hbm4b:s15+s3] =	stream.linear.scatter [tilespmem:s7], [sflag:$0x3], $0x4000, $0x38;
	[tilespmem:$0x8400] =	vst v63  }
0x23: {  	_ =	swait.ge [sflag:s4], $0x4000  }
0x24: {  	[sflag:s4] =	ssyncset.done $0x0  }
0x25: {  	s16 =	simm.s32 $0x200;
	[sflag:s4] =	ssyncadd.s32 $0xFFFFC000  }
0x26: {  	[tilespmem:s7], [sflag:$0x1] =	stream.indirect.gather [hbm4b:s1+s6], $0x80, s16, s6, $0xb8;
	[tilespmem:$0x8400] =	vst v63  }
0x27: {  	_ =	swait.ge [sflag:s12], $0x4000  }
0x28: {  	[sflag:s12] =	ssyncset.done $0x0  }
0x29: {  	s17 =	sadd.s32 $0x1800, s10;
	[sflag:s12] =	ssyncadd.s32 $0xFFFFC000  }
0x2a: {  	[hbm4b:s17+s3] =	stream.linear.scatter [tilespmem:s8], [sflag:$0x3], $0x4000, $0x38;
	[tilespmem:$0x8400] =	vst v63  }
0x2b: {  	_ =	swait.ge [sflag:s4], $0x4000  }
0x2c: {  	[sflag:s4] =	ssyncset.done $0x0  }
0x2d: {  	s18 =	simm.s32 $0x280;
	[sflag:s4] =	ssyncadd.s32 $0xFFFFC000  }
0x2e: {  	[tilespmem:s8], [sflag:$0x2] =	stream.indirect.gather [hbm4b:s1+s6], $0x80, s18, s6, $0xb8;
	[tilespmem:$0x8400] =	vst v63  }
0x2f: {  	_ =	swait.ge [sflag:s9], $0x4000  }
0x30: {  	[sflag:s9] =	ssyncset.done $0x0  }
0x31: {  	s19 =	sadd.s32 $0x2000, s10;
	[sflag:s9] =	ssyncadd.s32 $0xFFFFC000  }
0x32: {  	[hbm4b:s19+s3] =	stream.linear.scatter [tilespmem:s7], [sflag:$0x3], $0x4000, $0x38;
	[tilespmem:$0x8400] =	vst v63  }
0x33: {  	_ =	swait.ge [sflag:s4], $0x4000  }
0x34: {  	[sflag:s4] =	ssyncset.done $0x0  }
0x35: {  	s20 =	simm.s32 $0x300;
	[sflag:s4] =	ssyncadd.s32 $0xFFFFC000  }
0x36: {  	[tilespmem:s7], [sflag:$0x1] =	stream.indirect.gather [hbm4b:s1+s6], $0x80, s20, s6, $0xb8;
	[tilespmem:$0x8400] =	vst v63  }
0x37: {  	_ =	swait.ge [sflag:s12], $0x4000  }
0x38: {  	[sflag:s12] =	ssyncset.done $0x0  }
0x39: {  	s21 =	sadd.s32 $0x2800, s10;
	[sflag:s12] =	ssyncadd.s32 $0xFFFFC000  }
0x3a: {  	[hbm4b:s21+s3] =	stream.linear.scatter [tilespmem:s8], [sflag:$0x3], $0x4000, $0x38;
	[tilespmem:$0x8400] =	vst v63  }
0x3b: {  	_ =	swait.ge [sflag:s4], $0x4000  }
0x3c: {  	[sflag:s4] =	ssyncset.done $0x0  }
0x3d: {  	s22 =	simm.s32 $0x380;
	[sflag:s4] =	ssyncadd.s32 $0xFFFFC000  }
0x3e: {  	[tilespmem:s8], [sflag:$0x2] =	stream.indirect.gather [hbm4b:s1+s6], $0x80, s22, s6, $0xb8;
	[tilespmem:$0x8400] =	vst v63  }
0x3f: {  	_ =	swait.ge [sflag:s9], $0x4000  }
0x40: {  	[sflag:s9] =	ssyncset.done $0x0  }
0x41: {  	s24 =	ssub.s32 $0x2, s24;
	s23 =	sadd.s32 $0x3000, s10;
	[sflag:s9] =	ssyncadd.s32 $0xFFFFC000  }
0x42: {  	[hbm4b:s23+s3] =	stream.linear.scatter [tilespmem:s7], [sflag:$0x3], $0x4000, $0x38;
	[tilespmem:$0x8400] =	vst v63  }
0x43: {  	s25 =	sshrl.u32 s24, $0x1;
	_ =	swait.ge [sflag:s4], $0x4000  }
0x44: {  	s25 =	ssub.s32 s24, s25;
	[sflag:s4] =	ssyncset.done $0x0  }
0x45: {  	s25 =	smax.u32 s25, $0x1;
	[sflag:s4] =	ssyncadd.s32 $0xFFFFC000  }
0x46: {  	p0 =	sne.s32 s25, $0x1;
	_ =	swait.ge [sflag:s12], $0x4000  }
.Ltmp0:
0x47: {  	[sflag:s12] =	ssyncset.done $0x0;
	(pc) =	sbr.rel @!p0 .LBB2_2-.Ltmp0, $4  }
0x48: {  	s24 =	sadd.s32 $0x3800, s10;
	[sflag:s12] =	ssyncadd.s32 $0xFFFFC000  }
0x49: {  	[hbm4b:s24+s3] =	stream.linear.scatter [tilespmem:s8], [sflag:$0x3], $0x4000, $0x38;
	[tilespmem:$0x8400] =	vst v63  }
0x4a: {  	_ =	swait.ge [sflag:s4], $0x4000  }
0x4b: {  	s25 =	sadd.s32 $0xFFFFFFFF, s25;
	[sflag:s4] =	ssyncset.done $0x0  }
.LBB2_1:
0x4c: {  	p0 =	sne.s32 s25, $0x1;
	s25 =	sadd.s32 $0xFFFFFFFF, s25;
	[sflag:s4] =	ssyncadd.s32 $0xFFFFC000  }
0x4d: {  	[tilespmem:s3], [sflag:$0x3] =	stream.linear.gather [hbm4b:s5+s3], $0x400, $0x38;
	[tilespmem:$0x8400] =	vst v63  }
0x4e: {  	_ =	swait.ge [sflag:s4], $0x400  }
0x4f: {  	[sflag:s4] =	ssyncset.done $0x0  }
0x50: {  	[sflag:s4] =	ssyncadd.s32 $0xFFFFFC00  }
0x51: {  	[tilespmem:s7], [sflag:$0x1] =	stream.indirect.gather [hbm4b:s1+s6], $0x80, s3, s6, $0xb8;
	[tilespmem:$0x8400] =	vst v63  }
0x52: {  	_ = 	snop  }
0x53: {  	[tilespmem:s8], [sflag:$0x2] =	stream.indirect.gather [hbm4b:s1+s6], $0x80, s6, s6, $0xb8;
	[tilespmem:$0x8400] =	vst v63  }
0x54: {  	_ =	swait.ge [sflag:s9], $0x4000  }
0x55: {  	[sflag:s9] =	ssyncset.done $0x0  }
0x56: {  	[sflag:s9] =	ssyncadd.s32 $0xFFFFC000  }
0x57: {  	[hbm4b:s10+s3] =	stream.linear.scatter [tilespmem:s7], [sflag:$0x3], $0x4000, $0x38;
	[tilespmem:$0x8400] =	vst v63  }
0x58: {  	_ =	swait.ge [sflag:s4], $0x4000  }
0x59: {  	[sflag:s4] =	ssyncset.done $0x0  }
0x5a: {  	[sflag:s4] =	ssyncadd.s32 $0xFFFFC000  }
0x5b: {  	[tilespmem:s7], [sflag:$0x1] =	stream.indirect.gather [hbm4b:s1+s6], $0x80, s11, s6, $0xb8;
	[tilespmem:$0x8400] =	vst v63  }
0x5c: {  	_ =	swait.ge [sflag:s12], $0x4000  }
0x5d: {  	[sflag:s12] =	ssyncset.done $0x0  }
0x5e: {  	[sflag:s12] =	ssyncadd.s32 $0xFFFFC000  }
0x5f: {  	[hbm4b:s13+s3] =	stream.linear.scatter [tilespmem:s8], [sflag:$0x3], $0x4000, $0x38;
	[tilespmem:$0x8400] =	vst v63  }
0x60: {  	_ =	swait.ge [sflag:s4], $0x4000  }
0x61: {  	[sflag:s4] =	ssyncset.done $0x0  }
0x62: {  	[sflag:s4] =	ssyncadd.s32 $0xFFFFC000  }
0x63: {  	[tilespmem:s8], [sflag:$0x2] =	stream.indirect.gather [hbm4b:s1+s6], $0x80, s14, s6, $0xb8;
	[tilespmem:$0x8400] =	vst v63  }
0x64: {  	_ =	swait.ge [sflag:s9], $0x4000  }
0x65: {  	[sflag:s9] =	ssyncset.done $0x0  }
0x66: {  	[sflag:s9] =	ssyncadd.s32 $0xFFFFC000  }
0x67: {  	[hbm4b:s15+s3] =	stream.linear.scatter [tilespmem:s7], [sflag:$0x3], $0x4000, $0x38;
	[tilespmem:$0x8400] =	vst v63  }
0x68: {  	_ =	swait.ge [sflag:s4], $0x4000  }
0x69: {  	[sflag:s4] =	ssyncset.done $0x0  }
0x6a: {  	[sflag:s4] =	ssyncadd.s32 $0xFFFFC000  }
0x6b: {  	[tilespmem:s7], [sflag:$0x1] =	stream.indirect.gather [hbm4b:s1+s6], $0x80, s16, s6, $0xb8;
	[tilespmem:$0x8400] =	vst v63  }
0x6c: {  	_ =	swait.ge [sflag:s12], $0x4000  }
0x6d: {  	[sflag:s12] =	ssyncset.done $0x0  }
0x6e: {  	[sflag:s12] =	ssyncadd.s32 $0xFFFFC000  }
0x6f: {  	[hbm4b:s17+s3] =	stream.linear.scatter [tilespmem:s8], [sflag:$0x3], $0x4000, $0x38;
	[tilespmem:$0x8400] =	vst v63  }
0x70: {  	_ =	swait.ge [sflag:s4], $0x4000  }
0x71: {  	[sflag:s4] =	ssyncset.done $0x0  }
0x72: {  	[sflag:s4] =	ssyncadd.s32 $0xFFFFC000  }
0x73: {  	[tilespmem:s8], [sflag:$0x2] =	stream.indirect.gather [hbm4b:s1+s6], $0x80, s18, s6, $0xb8;
	[tilespmem:$0x8400] =	vst v63  }
0x74: {  	_ =	swait.ge [sflag:s9], $0x4000  }
0x75: {  	[sflag:s9] =	ssyncset.done $0x0  }
0x76: {  	[sflag:s9] =	ssyncadd.s32 $0xFFFFC000  }
0x77: {  	[hbm4b:s19+s3] =	stream.linear.scatter [tilespmem:s7], [sflag:$0x3], $0x4000, $0x38;
	[tilespmem:$0x8400] =	vst v63  }
0x78: {  	_ =	swait.ge [sflag:s4], $0x4000  }
0x79: {  	[sflag:s4] =	ssyncset.done $0x0  }
0x7a: {  	[sflag:s4] =	ssyncadd.s32 $0xFFFFC000  }
0x7b: {  	[tilespmem:s7], [sflag:$0x1] =	stream.indirect.gather [hbm4b:s1+s6], $0x80, s20, s6, $0xb8;
	[tilespmem:$0x8400] =	vst v63  }
0x7c: {  	_ =	swait.ge [sflag:s12], $0x4000  }
0x7d: {  	[sflag:s12] =	ssyncset.done $0x0  }
0x7e: {  	[sflag:s12] =	ssyncadd.s32 $0xFFFFC000  }
0x7f: {  	[hbm4b:s21+s3] =	stream.linear.scatter [tilespmem:s8], [sflag:$0x3], $0x4000, $0x38;
	[tilespmem:$0x8400] =	vst v63  }
0x80: {  	_ =	swait.ge [sflag:s4], $0x4000  }
0x81: {  	[sflag:s4] =	ssyncset.done $0x0  }
0x82: {  	[sflag:s4] =	ssyncadd.s32 $0xFFFFC000  }
0x83: {  	[tilespmem:s8], [sflag:$0x2] =	stream.indirect.gather [hbm4b:s1+s6], $0x80, s22, s6, $0xb8;
	[tilespmem:$0x8400] =	vst v63  }
0x84: {  	_ =	swait.ge [sflag:s9], $0x4000  }
0x85: {  	[sflag:s9] =	ssyncset.done $0x0  }
0x86: {  	[sflag:s9] =	ssyncadd.s32 $0xFFFFC000  }
0x87: {  	[hbm4b:s23+s3] =	stream.linear.scatter [tilespmem:s7], [sflag:$0x3], $0x4000, $0x38;
	[tilespmem:$0x8400] =	vst v63  }
0x88: {  	_ =	swait.ge [sflag:s4], $0x4000  }
0x89: {  	[sflag:s4] =	ssyncset.done $0x0  }
0x8a: {  	[sflag:s4] =	ssyncadd.s32 $0xFFFFC000  }
0x8b: {  	_ =	swait.ge [sflag:s12], $0x4000  }
.Ltmp1:
0x8c: {  	[sflag:s12] =	ssyncset.done $0x0;
	(pc) =	sbr.rel @p0 .LBB2_1-.Ltmp1, $4  }
0x8d: {  	[sflag:s12] =	ssyncadd.s32 $0xFFFFC000  }
0x8e: {  	[hbm4b:s24+s3] =	stream.linear.scatter [tilespmem:s8], [sflag:$0x3], $0x4000, $0x38;
	[tilespmem:$0x8400] =	vst v63  }
0x8f: {  	_ =	swait.ge [sflag:s4], $0x4000  }
0x90: {  	[sflag:s4] =	ssyncset.done $0x0  }
.LBB2_2:
0x91: {  	[sflag:s4] =	ssyncadd.s32 $0xFFFFC000  }
0x92: {  	_ =	sfence.sel $0x180000  }
0x93: {  	[bflag:$0x0] =	sbarrier.arrive $0xFFFF  }
0x94: {  	p0 =	sne.s32 s0, $0x0;
	_ =	strace $0x90000047  }
0x95: {  	s0 =	sadd.s32 @!p0 $0x100000, s2;
	[bflag:$0x2] =	sbarrier.arrive $0xFFFF  }
0x96: {  	[sflag:s0] =	ssyncadd.tile.s32 @!p0 $0x1;
	_ =	shalt  }
.Lfunc_end2:
_tile_overlayer_lowered:
.L_overlay_start_2:
0x97: {  	(tag) =	ssettag $0x2  }
0x98: {  	s0 =	rddreg [dreg:$0x0];
	s2 =	stileid.u32  }
0x99: {  	s1 =	rddreg [dreg:$0x1];
	p0 =	sne.s32 s2, $0x0  }
0x9a: {  	s3 =	rddreg [dreg:$0x2];
	[bflag:$0x3] =	sbarrier.arrive $0xFFFF;
	s2 =	simm.s32 @!p0 $0x1C03  }
0x9b: {  	[timem:s3], [sflag:s2] =	dma.local @!p0 [hbm:s0], s1  }
0x9c: {  	s0 =	simm.s32 @!p0 $0x3  }
0x9d: {  	_ =	swait.ge @!p0 [sflag:s0], s1  }
0x9e: {  	s1 =	ssub.s32 @!p0 $0x0, s1;
	[sflag:s0] =	ssyncset.done @!p0 $0x0  }
0x9f: {  	[sflag:s0] =	ssyncadd.s32 @!p0 s1  }
0xa0: {  	[bflag:$0x3] =	sbarrier.arrive $0xFFFF  }
0xa1: {  	_ =	shalt  }

</sc_bundles>
